<compile_context>
chip_gen: v7x
topology: tpu7x:2x2x1
jax: 0.10.2.dev20260603
libtpu: 0.0.44.dev20260713+nightly
codegen_flags: <defaults>
</compile_context>

<pallas_src>
import functools

import jax
import jax.numpy as jnp
from jax import lax
from jax.experimental import pallas as pl
from jax.experimental.pallas import tpu as pltpu
from jax.experimental.pallas import tpu_sc as plsc

N = 10000
E = 320000
D = 128
H = 128
C = 64

NC = 2
NS = 16
W = NC * NS
CH = 64
EP = 327680
EPW = EP // W
ITERS = EPW // CH
GRP = 16
NGRP = ITERS // GRP
NP = 10112
RPT = NP // NS
CW = 16


def _sc_segment_sum(src_r, dst_r, adj_emb, z_acc, z_cnt, ones16):
    mesh = plsc.VectorSubcoreMesh(core_axis_name="c", subcore_axis_name="s")

    @functools.partial(
        pl.kernel,
        out_type=[
            jax.ShapeDtypeStruct((NC * NP, H), jnp.float32),
            jax.ShapeDtypeStruct((NC * NP, CW), jnp.float32),
        ],
        mesh=mesh,
        compiler_params=pltpu.CompilerParams(use_tc_tiling_on_sc=False),
        scratch_types=[
            pltpu.VMEM((GRP, CH), jnp.int32),
            pltpu.VMEM((GRP, CH), jnp.int32),
            pltpu.VMEM((CH, H), jnp.float32),
            pltpu.VMEM((CH, CW), jnp.float32),
            pltpu.VMEM_SHARED((NP, H), jnp.float32),
            pltpu.VMEM_SHARED((NP, CW), jnp.float32),
            pltpu.SemaphoreType.DMA,
        ],
    )
    def seg(src_hbm, dst_hbm, adj_hbm, zacc_hbm, zcnt_hbm, ones_hbm,
            psum_hbm, pcnt_hbm,
            src_v, dst_v, rows_v, ones_v, acc_sh, cnt_sh, sem):
        c = lax.axis_index("c")
        s = lax.axis_index("s")
        wid = s * NC + c
        r0 = s * RPT
        pltpu.sync_copy(zacc_hbm.at[pl.ds(r0, RPT)], acc_sh.at[pl.ds(r0, RPT)])
        pltpu.sync_copy(zcnt_hbm.at[pl.ds(r0, RPT)], cnt_sh.at[pl.ds(r0, RPT)])
        pltpu.sync_copy(ones_hbm, ones_v)
        plsc.subcore_barrier()

        def group(g, carry):
            pltpu.sync_copy(src_hbm.at[wid, pl.ds(g * GRP, GRP)], src_v)
            pltpu.sync_copy(dst_hbm.at[wid, pl.ds(g * GRP, GRP)], dst_v)

            def step(k, carry2):
                pltpu.async_copy(adj_hbm.at[dst_v.at[k]], rows_v, sem).wait()
                pltpu.sync_copy(rows_v, acc_sh.at[src_v.at[k]], add=True)
                pltpu.sync_copy(ones_v, cnt_sh.at[src_v.at[k]], add=True)
                return carry2

            return lax.fori_loop(0, GRP, step, carry)

        lax.fori_loop(0, NGRP, group, 0)
        plsc.subcore_barrier()
        o0 = c * NP + r0
        pltpu.sync_copy(acc_sh.at[pl.ds(r0, RPT)], psum_hbm.at[pl.ds(o0, RPT)])
        pltpu.sync_copy(cnt_sh.at[pl.ds(r0, RPT)], pcnt_hbm.at[pl.ds(o0, RPT)])

    return seg(src_r, dst_r, adj_emb, z_acc, z_cnt, ones16)


def _tc_body(x_ref, s0_ref, s1_ref, c0_ref, c1_ref,
             wx1, bx1, wx2, bx2, wa, ba, wf1, bf1, wf2, bf2, wo, bo,
             out_ref):
    dot = functools.partial(jnp.dot, preferred_element_type=jnp.float32)
    x = x_ref[...]
    hx = dot(jnp.maximum(dot(x, wx1[...]) + bx1[...], 0.0), wx2[...]) + bx2[...]
    cnt = jnp.maximum(c0_ref[:, 0:1] + c1_ref[:, 0:1], 1.0)
    mean = (s0_ref[...] + s1_ref[...]) / cnt
    wfa = wf1[0:H] + wf1[2 * H:3 * H]
    wfx = wf1[H:2 * H] + wf1[2 * H:3 * H]
    wa2 = dot(wa[...], wfa)
    ba2 = dot(ba[...], wfa)
    t = jnp.maximum(dot(mean, wa2) + dot(hx, wfx) + ba2 + bf1[...], 0.0)
    z = jnp.maximum(dot(t, wf2[...]) + bf2[...], 0.0)
    out_ref[...] = dot(z, wo[...]) + bo[...]


def _tc_dense(x, s0, s1, c0, c1, Wx1, bx1, Wx2, bx2, Wa, ba, Wf1, bf1, Wf2, bf2, Wo, bo):
    B = 512
    row = lambda i: (i, 0)
    full = lambda i: (0, 0)
    return pl.pallas_call(
        _tc_body,
        grid=(20,),
        in_specs=[
            pl.BlockSpec((B, D), row),
            pl.BlockSpec((B, H), row),
            pl.BlockSpec((B, H), row),
            pl.BlockSpec((B, CW), row),
            pl.BlockSpec((B, CW), row),
            pl.BlockSpec((D, H), full),
            pl.BlockSpec((1, H), full),
            pl.BlockSpec((H, H), full),
            pl.BlockSpec((1, H), full),
            pl.BlockSpec((H, H), full),
            pl.BlockSpec((1, H), full),
            pl.BlockSpec((3 * H, H), full),
            pl.BlockSpec((1, H), full),
            pl.BlockSpec((H, H), full),
            pl.BlockSpec((1, H), full),
            pl.BlockSpec((H, C), full),
            pl.BlockSpec((1, C), full),
        ],
        out_specs=pl.BlockSpec((B, C), row),
        out_shape=jax.ShapeDtypeStruct((N, C), jnp.float32),
    )(x, s0, s1, c0, c1, Wx1, bx1.reshape(1, H), Wx2, bx2.reshape(1, H),
      Wa, ba.reshape(1, H), Wf1, bf1.reshape(1, H), Wf2, bf2.reshape(1, H),
      Wo, bo.reshape(1, C))


def kernel(x, edge_index, adj_emb, Wx1, bx1, Wx2, bx2, Wa, ba, Wf1, bf1, Wf2, bf2, Wo, bo):
    pad = EP - E
    src_p = jnp.concatenate([edge_index[0], jnp.full((pad,), N, jnp.int32)])
    dst_p = jnp.concatenate([edge_index[1], jnp.zeros((pad,), jnp.int32)])
    src_r = src_p.reshape(W, ITERS, CH)
    dst_r = dst_p.reshape(W, ITERS, CH)
    z_acc = jnp.zeros((NP, H), jnp.float32)
    z_cnt = jnp.zeros((NP, CW), jnp.float32)
    ones16 = jnp.ones((CH, CW), jnp.float32)
    psum, pcnt = _sc_segment_sum(src_r, dst_r, adj_emb, z_acc, z_cnt, ones16)
    s0, s1 = psum[:NP], psum[NP:]
    c0, c1 = pcnt[:NP], pcnt[NP:]
    return _tc_dense(x, s0, s1, c0, c1, Wx1, bx1, Wx2, bx2,
                     Wa, ba, Wf1, bf1, Wf2, bf2, Wo, bo)

# --- scband reference (transcript-rebuilt; emitter-appended) ---
"""Pipeline reference for scband-linkx-78176994721836 (READ-ONLY COPY).

The authoritative reference and input builder live on the scoring server;
editing this copy changes nothing except your own understanding.
"""

import jax, jax.numpy as jnp
import numpy as np

N = 10000
E = 320000
D = 128
H = 128
C = 64


def _xavier(key, shape):
    fan_in, fan_out = shape[0], shape[1]
    lim = (6.0 / (fan_in + fan_out)) ** 0.5
    return jax.random.uniform(key, shape, jnp.float32, -lim, lim)


def setup_inputs(seed: int = 0) -> dict:
    key = jax.random.key(seed)
    ks = jax.random.split(key, 16)
    x = jax.random.normal(ks[0], (N, D), jnp.float32)
    edge_index = jax.random.randint(ks[1], (2, E), 0, N, dtype=jnp.int32)
    adj_emb = _xavier(ks[2], (N, H))
    Wx1 = _xavier(ks[3], (D, H)); bx1 = jnp.zeros((H,), jnp.float32)
    Wx2 = _xavier(ks[4], (H, H)); bx2 = jnp.zeros((H,), jnp.float32)
    Wa = _xavier(ks[5], (H, H)); ba = jnp.zeros((H,), jnp.float32)
    Wf1 = _xavier(ks[6], (3 * H, H)); bf1 = jnp.zeros((H,), jnp.float32)
    Wf2 = _xavier(ks[7], (H, H)); bf2 = jnp.zeros((H,), jnp.float32)
    Wo = _xavier(ks[8], (H, C)); bo = jnp.zeros((C,), jnp.float32)
    return {"x": x, "edge_index": edge_index, "adj_emb": adj_emb,
            "Wx1": Wx1, "bx1": bx1, "Wx2": Wx2, "bx2": bx2,
            "Wa": Wa, "ba": ba,
            "Wf1": Wf1, "bf1": bf1, "Wf2": Wf2, "bf2": bf2,
            "Wo": Wo, "bo": bo}


def reference(x, edge_index, adj_emb, Wx1, bx1, Wx2, bx2, Wa, ba, Wf1, bf1, Wf2, bf2, Wo, bo):
    # eval mode: dropout is identity
    # mlp_x: Linear -> ReLU -> Linear
    h_x = jax.nn.relu(x @ Wx1 + bx1) @ Wx2 + bx2
    # adjacency row embedding: gather dst embeddings, scatter-mean onto src
    src = edge_index[0]
    dst = edge_index[1]
    neigh_emb = jnp.take(adj_emb, dst, axis=0)
    summed = jax.ops.segment_sum(neigh_emb, src, num_segments=N)
    counts = jax.ops.segment_sum(jnp.ones((E, 1), jnp.float32), src, num_segments=N)
    h_a_row = summed / jnp.clip(counts, 1.0, None)
    # mlp_a_out: single Linear (inner_mlp_layers=1)
    h_a = h_a_row @ Wa + ba
    # fuse: Linear -> ReLU -> Linear over [h_a, h_x, h_a + h_x]
    z = jnp.concatenate([h_a, h_x, h_a + h_x], axis=1)
    z = jax.nn.relu(z @ Wf1 + bf1) @ Wf2 + bf2
    z = jax.nn.relu(z)
    return z @ Wo + bo

if __name__ == "__main__":
    import jax
    _d = setup_inputs()
    print(jax.jit(kernel)(*tuple(_d.values())))

</pallas_src>

<mosaic_0001>
#map = affine_map<(d0, d1) -> (0, 0, 0)>
#map1 = affine_map<(d0, d1) -> (0, 0)>
module attributes {stable_mosaic.version = 14 : i64} {
  func.func @seg(%arg0: i32, %arg1: i32, %arg2: memref<32x160x64xi32, #tpu.memory_space<hbm>>, %arg3: memref<32x160x64xi32, #tpu.memory_space<hbm>>, %arg4: memref<10000x128xf32, #tpu.memory_space<hbm>>, %arg5: memref<10112x128xf32, #tpu.memory_space<hbm>>, %arg6: memref<10112x16xf32, #tpu.memory_space<hbm>>, %arg7: memref<64x16xf32, #tpu.memory_space<hbm>>, %arg8: memref<20224x128xf32, #tpu.memory_space<hbm>>, %arg9: memref<20224x16xf32, #tpu.memory_space<hbm>>, %arg10: memref<16x64xi32, #tpu.memory_space<vmem>>, %arg11: memref<16x64xi32, #tpu.memory_space<vmem>>, %arg12: memref<64x128xf32, #tpu.memory_space<vmem>>, %arg13: memref<64x16xf32, #tpu.memory_space<vmem>>, %arg14: memref<10112x128xf32, #tpu.memory_space<vmem_shared>>, %arg15: memref<10112x16xf32, #tpu.memory_space<vmem_shared>>, %arg16: memref<!tpu.dma_semaphore, #tpu.memory_space<semaphore_mem>>) attributes {dimension_semantics = [#tpu.dimension_semantics<core_parallel>, #tpu.dimension_semantics<subcore_parallel>], iteration_bounds = array<i64: 2, 16>, scalar_prefetch = 0 : i64, scratch_operands = 7 : i64, tpu.core_type = #tpu.core_type<sc_vector_subcore>, window_params = [{transform_indices = #map}, {transform_indices = #map}, {transform_indices = #map1}, {transform_indices = #map1}, {transform_indices = #map1}, {transform_indices = #map1}, {transform_indices = #map1}, {transform_indices = #map1}]} {
    %mul3A = arith.constant 2 : i32
    %mul3A_0 = arith.muli %arg1, %mul3A : i32
    %add3A = arith.addi %mul3A_0, %arg0 : i32
    %mul3A_1 = arith.constant 632 : i32
    %mul3A_2 = arith.muli %arg1, %mul3A_1 : i32
    "tpu.region"() ({
      %run_scoped3A = tpu.sem_alloc : memref<!tpu.dma_semaphore, #tpu.memory_space<semaphore_mem>>
      %dma_start3A = arith.constant 0 : i32
      %dma_start3A_12 = tpu.memref_slice %arg14[%mul3A_2, %dma_start3A] : memref<10112x128xf32, #tpu.memory_space<vmem_shared>> -> memref<632x128xf32, #tpu.memory_space<vmem_shared>>
      %dma_start3A_13 = arith.constant 0 : i32
      %dma_start3A_14 = tpu.memref_slice %arg5[%mul3A_2, %dma_start3A_13] : memref<10112x128xf32, #tpu.memory_space<hbm>> -> memref<632x128xf32, #tpu.memory_space<hbm>>
      tpu.enqueue_dma source(%dma_start3A_14 : memref<632x128xf32, #tpu.memory_space<hbm>>) target(%dma_start3A_12 : memref<632x128xf32, #tpu.memory_space<vmem_shared>>) target_semaphore(%run_scoped3A : memref<!tpu.dma_semaphore, #tpu.memory_space<semaphore_mem>>)
      %dma_wait3A = arith.constant 0 : i32
      %dma_wait3A_15 = tpu.memref_slice %arg14[%mul3A_2, %dma_wait3A] : memref<10112x128xf32, #tpu.memory_space<vmem_shared>> -> memref<632x128xf32, #tpu.memory_space<vmem_shared>>
      %dma_wait3A_16 = arith.constant 0 : i32
      %dma_wait3A_17 = tpu.memref_slice %arg5[%mul3A_2, %dma_wait3A_16] : memref<10112x128xf32, #tpu.memory_space<hbm>> -> memref<632x128xf32, #tpu.memory_space<hbm>>
      tpu.wait_dma2 semaphore(%run_scoped3A : memref<!tpu.dma_semaphore, #tpu.memory_space<semaphore_mem>>) src(%dma_wait3A_17 : memref<632x128xf32, #tpu.memory_space<hbm>>) dst(%dma_wait3A_15 : memref<632x128xf32, #tpu.memory_space<vmem_shared>>)
      tpu.yield
    }) : () -> ()
    "tpu.region"() ({
      %run_scoped3A = tpu.sem_alloc : memref<!tpu.dma_semaphore, #tpu.memory_space<semaphore_mem>>
      %dma_start3A = arith.constant 0 : i32
      %dma_start3A_12 = tpu.memref_slice %arg15[%mul3A_2, %dma_start3A] : memref<10112x16xf32, #tpu.memory_space<vmem_shared>> -> memref<632x16xf32, #tpu.memory_space<vmem_shared>>
      %dma_start3A_13 = arith.constant 0 : i32
      %dma_start3A_14 = tpu.memref_slice %arg6[%mul3A_2, %dma_start3A_13] : memref<10112x16xf32, #tpu.memory_space<hbm>> -> memref<632x16xf32, #tpu.memory_space<hbm>>
      tpu.enqueue_dma source(%dma_start3A_14 : memref<632x16xf32, #tpu.memory_space<hbm>>) target(%dma_start3A_12 : memref<632x16xf32, #tpu.memory_space<vmem_shared>>) target_semaphore(%run_scoped3A : memref<!tpu.dma_semaphore, #tpu.memory_space<semaphore_mem>>)
      %dma_wait3A = arith.constant 0 : i32
      %dma_wait3A_15 = tpu.memref_slice %arg15[%mul3A_2, %dma_wait3A] : memref<10112x16xf32, #tpu.memory_space<vmem_shared>> -> memref<632x16xf32, #tpu.memory_space<vmem_shared>>
      %dma_wait3A_16 = arith.constant 0 : i32
      %dma_wait3A_17 = tpu.memref_slice %arg6[%mul3A_2, %dma_wait3A_16] : memref<10112x16xf32, #tpu.memory_space<hbm>> -> memref<632x16xf32, #tpu.memory_space<hbm>>
      tpu.wait_dma2 semaphore(%run_scoped3A : memref<!tpu.dma_semaphore, #tpu.memory_space<semaphore_mem>>) src(%dma_wait3A_17 : memref<632x16xf32, #tpu.memory_space<hbm>>) dst(%dma_wait3A_15 : memref<632x16xf32, #tpu.memory_space<vmem_shared>>)
      tpu.yield
    }) : () -> ()
    "tpu.region"() ({
      %run_scoped3A = tpu.sem_alloc : memref<!tpu.dma_semaphore, #tpu.memory_space<semaphore_mem>>
      tpu.enqueue_dma source(%arg7 : memref<64x16xf32, #tpu.memory_space<hbm>>) target(%arg13 : memref<64x16xf32, #tpu.memory_space<vmem>>) target_semaphore(%run_scoped3A : memref<!tpu.dma_semaphore, #tpu.memory_space<semaphore_mem>>)
      tpu.wait_dma2 semaphore(%run_scoped3A : memref<!tpu.dma_semaphore, #tpu.memory_space<semaphore_mem>>) src(%arg7 : memref<64x16xf32, #tpu.memory_space<hbm>>) dst(%arg13 : memref<64x16xf32, #tpu.memory_space<vmem>>)
      tpu.yield
    }) : () -> ()
    %barrier3A = arith.constant 0 : index
    tpu.barrier barrier_id(%barrier3A)
    %scan3A = arith.constant 0 : i32
    %scan3A_3 = arith.constant 0 : i32
    %scan3A_4 = arith.constant 10 : i32
    %scan3A_5 = arith.addi %scan3A_3, %scan3A_4 : i32
    %scan3A_6 = arith.constant 1 : i32
    scf.for %scan3A_12 = %scan3A_3 to %scan3A_5 step %scan3A_6  : i32 {
      %mul3A_13 = arith.constant 16 : i32
      %mul3A_14 = arith.muli %scan3A_12, %mul3A_13 : i32
      "tpu.region"() ({
        %run_scoped3A = tpu.sem_alloc : memref<!tpu.dma_semaphore, #tpu.memory_space<semaphore_mem>>
        %dma_start3A = arith.constant 0 : i32
        %dma_start3A_22 = tpu.memref_slice %arg2[%add3A, %mul3A_14, %dma_start3A] : memref<32x160x64xi32, #tpu.memory_space<hbm>> -> memref<1x16x64xi32, #tpu.memory_space<hbm>>
        %dma_start3A_23 = tpu.memref_squeeze %dma_start3A_22 : memref<1x16x64xi32, #tpu.memory_space<hbm>> -> memref<16x64xi32, #tpu.memory_space<hbm>>
        %dma_start3A_24 = arith.constant 0 : i32
        %dma_start3A_25 = tpu.memref_slice %arg2[%add3A, %mul3A_14, %dma_start3A_24] : memref<32x160x64xi32, #tpu.memory_space<hbm>> -> memref<1x16x64xi32, #tpu.memory_space<hbm>>
        %dma_start3A_26 = tpu.memref_squeeze %dma_start3A_25 : memref<1x16x64xi32, #tpu.memory_space<hbm>> -> memref<16x64xi32, #tpu.memory_space<hbm>>
        tpu.enqueue_dma source(%dma_start3A_26 : memref<16x64xi32, #tpu.memory_space<hbm>>) target(%arg10 : memref<16x64xi32, #tpu.memory_space<vmem>>) target_semaphore(%run_scoped3A : memref<!tpu.dma_semaphore, #tpu.memory_space<semaphore_mem>>)
        %dma_wait3A = arith.constant 0 : i32
        %dma_wait3A_27 = tpu.memref_slice %arg2[%add3A, %mul3A_14, %dma_wait3A] : memref<32x160x64xi32, #tpu.memory_space<hbm>> -> memref<1x16x64xi32, #tpu.memory_space<hbm>>
        %dma_wait3A_28 = tpu.memref_squeeze %dma_wait3A_27 : memref<1x16x64xi32, #tpu.memory_space<hbm>> -> memref<16x64xi32, #tpu.memory_space<hbm>>
        %dma_wait3A_29 = arith.constant 0 : i32
        %dma_wait3A_30 = tpu.memref_slice %arg2[%add3A, %mul3A_14, %dma_wait3A_29] : memref<32x160x64xi32, #tpu.memory_space<hbm>> -> memref<1x16x64xi32, #tpu.memory_space<hbm>>
        %dma_wait3A_31 = tpu.memref_squeeze %dma_wait3A_30 : memref<1x16x64xi32, #tpu.memory_space<hbm>> -> memref<16x64xi32, #tpu.memory_space<hbm>>
        tpu.wait_dma2 semaphore(%run_scoped3A : memref<!tpu.dma_semaphore, #tpu.memory_space<semaphore_mem>>) src(%dma_wait3A_31 : memref<16x64xi32, #tpu.memory_space<hbm>>) dst(%arg10 : memref<16x64xi32, #tpu.memory_space<vmem>>)
        tpu.yield
      }) : () -> ()
      %mul3A_15 = arith.constant 16 : i32
      %mul3A_16 = arith.muli %scan3A_12, %mul3A_15 : i32
      "tpu.region"() ({
        %run_scoped3A = tpu.sem_alloc : memref<!tpu.dma_semaphore, #tpu.memory_space<semaphore_mem>>
        %dma_start3A = arith.constant 0 : i32
        %dma_start3A_22 = tpu.memref_slice %arg3[%add3A, %mul3A_16, %dma_start3A] : memref<32x160x64xi32, #tpu.memory_space<hbm>> -> memref<1x16x64xi32, #tpu.memory_space<hbm>>
        %dma_start3A_23 = tpu.memref_squeeze %dma_start3A_22 : memref<1x16x64xi32, #tpu.memory_space<hbm>> -> memref<16x64xi32, #tpu.memory_space<hbm>>
        %dma_start3A_24 = arith.constant 0 : i32
        %dma_start3A_25 = tpu.memref_slice %arg3[%add3A, %mul3A_16, %dma_start3A_24] : memref<32x160x64xi32, #tpu.memory_space<hbm>> -> memref<1x16x64xi32, #tpu.memory_space<hbm>>
        %dma_start3A_26 = tpu.memref_squeeze %dma_start3A_25 : memref<1x16x64xi32, #tpu.memory_space<hbm>> -> memref<16x64xi32, #tpu.memory_space<hbm>>
        tpu.enqueue_dma source(%dma_start3A_26 : memref<16x64xi32, #tpu.memory_space<hbm>>) target(%arg11 : memref<16x64xi32, #tpu.memory_space<vmem>>) target_semaphore(%run_scoped3A : memref<!tpu.dma_semaphore, #tpu.memory_space<semaphore_mem>>)
        %dma_wait3A = arith.constant 0 : i32
        %dma_wait3A_27 = tpu.memref_slice %arg3[%add3A, %mul3A_16, %dma_wait3A] : memref<32x160x64xi32, #tpu.memory_space<hbm>> -> memref<1x16x64xi32, #tpu.memory_space<hbm>>
        %dma_wait3A_28 = tpu.memref_squeeze %dma_wait3A_27 : memref<1x16x64xi32, #tpu.memory_space<hbm>> -> memref<16x64xi32, #tpu.memory_space<hbm>>
        %dma_wait3A_29 = arith.constant 0 : i32
        %dma_wait3A_30 = tpu.memref_slice %arg3[%add3A, %mul3A_16, %dma_wait3A_29] : memref<32x160x64xi32, #tpu.memory_space<hbm>> -> memref<1x16x64xi32, #tpu.memory_space<hbm>>
        %dma_wait3A_31 = tpu.memref_squeeze %dma_wait3A_30 : memref<1x16x64xi32, #tpu.memory_space<hbm>> -> memref<16x64xi32, #tpu.memory_space<hbm>>
        tpu.wait_dma2 semaphore(%run_scoped3A : memref<!tpu.dma_semaphore, #tpu.memory_space<semaphore_mem>>) src(%dma_wait3A_31 : memref<16x64xi32, #tpu.memory_space<hbm>>) dst(%arg11 : memref<16x64xi32, #tpu.memory_space<vmem>>)
        tpu.yield
      }) : () -> ()
      %scan3A_17 = arith.constant 0 : i32
      %scan3A_18 = arith.constant 16 : i32
      %scan3A_19 = arith.addi %scan3A_17, %scan3A_18 : i32
      %scan3A_20 = arith.constant 1 : i32
      scf.for %scan3A_22 = %scan3A_17 to %scan3A_19 step %scan3A_20  : i32 {
        %dma_start3A = arith.constant 0 : i32
        %dma_start3A_23 = tpu.memref_slice %arg11[%scan3A_22, %dma_start3A] : memref<16x64xi32, #tpu.memory_space<vmem>> -> memref<1x64xi32, #tpu.memory_space<vmem>>
        %dma_start3A_24 = tpu.memref_squeeze %dma_start3A_23 : memref<1x64xi32, #tpu.memory_space<vmem>> -> memref<64xi32, #tpu.memory_space<vmem>>
        %dma_start3A_25 = arith.constant 0 : i32
        %dma_start3A_26 = arith.constant 0 : i32
        %dma_start3A_27 = tpu.memref_slice %arg4[%dma_start3A_25, %dma_start3A_26] : memref<10000x128xf32, #tpu.memory_space<hbm>> -> memref<10000x128xf32, #tpu.memory_space<hbm>>
        tpu.enqueue_indirect_dma source(%dma_start3A_27 : memref<10000x128xf32, #tpu.memory_space<hbm>>) target(%arg12 : memref<64x128xf32, #tpu.memory_space<vmem>>) offsets(%dma_start3A_24 : memref<64xi32, #tpu.memory_space<vmem>>) semaphore(%arg16 : memref<!tpu.dma_semaphore, #tpu.memory_space<semaphore_mem>>)
        %dma_wait3A = arith.constant 0 : i32
        %dma_wait3A_28 = tpu.memref_slice %arg11[%scan3A_22, %dma_wait3A] : memref<16x64xi32, #tpu.memory_space<vmem>> -> memref<1x64xi32, #tpu.memory_space<vmem>>
        %dma_wait3A_29 = tpu.memref_squeeze %dma_wait3A_28 : memref<1x64xi32, #tpu.memory_space<vmem>> -> memref<64xi32, #tpu.memory_space<vmem>>
        %dma_wait3A_30 = arith.constant 0 : i32
        %dma_wait3A_31 = arith.constant 0 : i32
        %dma_wait3A_32 = tpu.memref_slice %arg4[%dma_wait3A_30, %dma_wait3A_31] : memref<10000x128xf32, #tpu.memory_space<hbm>> -> memref<10000x128xf32, #tpu.memory_space<hbm>>
        tpu.wait_indirect_dma semaphore(%arg16 : memref<!tpu.dma_semaphore, #tpu.memory_space<semaphore_mem>>) src(%dma_wait3A_32 : memref<10000x128xf32, #tpu.memory_space<hbm>>) dst(%arg12 : memref<64x128xf32, #tpu.memory_space<vmem>>)
        "tpu.region"() ({
          %run_scoped3A = tpu.sem_alloc : memref<!tpu.dma_semaphore, #tpu.memory_space<semaphore_mem>>
          %dma_start3A_33 = arith.constant 0 : i32
          %dma_start3A_34 = tpu.memref_slice %arg10[%scan3A_22, %dma_start3A_33] : memref<16x64xi32, #tpu.memory_space<vmem>> -> memref<1x64xi32, #tpu.memory_space<vmem>>
          %dma_start3A_35 = tpu.memref_squeeze %dma_start3A_34 : memref<1x64xi32, #tpu.memory_space<vmem>> -> memref<64xi32, #tpu.memory_space<vmem>>
          %dma_start3A_36 = arith.constant 0 : i32
          %dma_start3A_37 = arith.constant 0 : i32
          %dma_start3A_38 = tpu.memref_slice %arg14[%dma_start3A_36, %dma_start3A_37] : memref<10112x128xf32, #tpu.memory_space<vmem_shared>> -> memref<10112x128xf32, #tpu.memory_space<vmem_shared>>
          tpu.enqueue_indirect_dma source(%arg12 : memref<64x128xf32, #tpu.memory_space<vmem>>) target(%dma_start3A_38 : memref<10112x128xf32, #tpu.memory_space<vmem_shared>>) offsets(%dma_start3A_35 : memref<64xi32, #tpu.memory_space<vmem>>) semaphore(%run_scoped3A : memref<!tpu.dma_semaphore, #tpu.memory_space<semaphore_mem>>) {add = true}
          %dma_wait3A_39 = arith.constant 0 : i32
          %dma_wait3A_40 = tpu.memref_slice %arg10[%scan3A_22, %dma_wait3A_39] : memref<16x64xi32, #tpu.memory_space<vmem>> -> memref<1x64xi32, #tpu.memory_space<vmem>>
          %dma_wait3A_41 = tpu.memref_squeeze %dma_wait3A_40 : memref<1x64xi32, #tpu.memory_space<vmem>> -> memref<64xi32, #tpu.memory_space<vmem>>
          %dma_wait3A_42 = arith.constant 0 : i32
          %dma_wait3A_43 = arith.constant 0 : i32
          %dma_wait3A_44 = tpu.memref_slice %arg14[%dma_wait3A_42, %dma_wait3A_43] : memref<10112x128xf32, #tpu.memory_space<vmem_shared>> -> memref<10112x128xf32, #tpu.memory_space<vmem_shared>>
          tpu.wait_indirect_dma semaphore(%run_scoped3A : memref<!tpu.dma_semaphore, #tpu.memory_space<semaphore_mem>>) src(%arg12 : memref<64x128xf32, #tpu.memory_space<vmem>>) dst(%dma_wait3A_44 : memref<10112x128xf32, #tpu.memory_space<vmem_shared>>)
          tpu.yield
        }) : () -> ()
        "tpu.region"() ({
          %run_scoped3A = tpu.sem_alloc : memref<!tpu.dma_semaphore, #tpu.memory_space<semaphore_mem>>
          %dma_start3A_33 = arith.constant 0 : i32
          %dma_start3A_34 = tpu.memref_slice %arg10[%scan3A_22, %dma_start3A_33] : memref<16x64xi32, #tpu.memory_space<vmem>> -> memref<1x64xi32, #tpu.memory_space<vmem>>
          %dma_start3A_35 = tpu.memref_squeeze %dma_start3A_34 : memref<1x64xi32, #tpu.memory_space<vmem>> -> memref<64xi32, #tpu.memory_space<vmem>>
          %dma_start3A_36 = arith.constant 0 : i32
          %dma_start3A_37 = arith.constant 0 : i32
          %dma_start3A_38 = tpu.memref_slice %arg15[%dma_start3A_36, %dma_start3A_37] : memref<10112x16xf32, #tpu.memory_space<vmem_shared>> -> memref<10112x16xf32, #tpu.memory_space<vmem_shared>>
          tpu.enqueue_indirect_dma source(%arg13 : memref<64x16xf32, #tpu.memory_space<vmem>>) target(%dma_start3A_38 : memref<10112x16xf32, #tpu.memory_space<vmem_shared>>) offsets(%dma_start3A_35 : memref<64xi32, #tpu.memory_space<vmem>>) semaphore(%run_scoped3A : memref<!tpu.dma_semaphore, #tpu.memory_space<semaphore_mem>>) {add = true}
          %dma_wait3A_39 = arith.constant 0 : i32
          %dma_wait3A_40 = tpu.memref_slice %arg10[%scan3A_22, %dma_wait3A_39] : memref<16x64xi32, #tpu.memory_space<vmem>> -> memref<1x64xi32, #tpu.memory_space<vmem>>
          %dma_wait3A_41 = tpu.memref_squeeze %dma_wait3A_40 : memref<1x64xi32, #tpu.memory_space<vmem>> -> memref<64xi32, #tpu.memory_space<vmem>>
          %dma_wait3A_42 = arith.constant 0 : i32
          %dma_wait3A_43 = arith.constant 0 : i32
          %dma_wait3A_44 = tpu.memref_slice %arg15[%dma_wait3A_42, %dma_wait3A_43] : memref<10112x16xf32, #tpu.memory_space<vmem_shared>> -> memref<10112x16xf32, #tpu.memory_space<vmem_shared>>
          tpu.wait_indirect_dma semaphore(%run_scoped3A : memref<!tpu.dma_semaphore, #tpu.memory_space<semaphore_mem>>) src(%arg13 : memref<64x16xf32, #tpu.memory_space<vmem>>) dst(%dma_wait3A_44 : memref<10112x16xf32, #tpu.memory_space<vmem_shared>>)
          tpu.yield
        }) : () -> ()
      }
      %scan3A_21 = arith.constant 16 : i32
    }
    %scan3A_7 = arith.constant 10 : i32
    %barrier3A_8 = arith.constant 0 : index
    tpu.barrier barrier_id(%barrier3A_8)
    %mul3A_9 = arith.constant 10112 : i32
    %mul3A_10 = arith.muli %arg0, %mul3A_9 : i32
    %add3A_11 = arith.addi %mul3A_10, %mul3A_2 : i32
    "tpu.region"() ({
      %run_scoped3A = tpu.sem_alloc : memref<!tpu.dma_semaphore, #tpu.memory_space<semaphore_mem>>
      %dma_start3A = arith.constant 0 : i32
      %dma_start3A_12 = tpu.memref_slice %arg8[%add3A_11, %dma_start3A] : memref<20224x128xf32, #tpu.memory_space<hbm>> -> memref<632x128xf32, #tpu.memory_space<hbm>>
      %dma_start3A_13 = arith.constant 0 : i32
      %dma_start3A_14 = tpu.memref_slice %arg14[%mul3A_2, %dma_start3A_13] : memref<10112x128xf32, #tpu.memory_space<vmem_shared>> -> memref<632x128xf32, #tpu.memory_space<vmem_shared>>
      tpu.enqueue_dma source(%dma_start3A_14 : memref<632x128xf32, #tpu.memory_space<vmem_shared>>) target(%dma_start3A_12 : memref<632x128xf32, #tpu.memory_space<hbm>>) target_semaphore(%run_scoped3A : memref<!tpu.dma_semaphore, #tpu.memory_space<semaphore_mem>>)
      %dma_wait3A = arith.constant 0 : i32
      %dma_wait3A_15 = tpu.memref_slice %arg8[%add3A_11, %dma_wait3A] : memref<20224x128xf32, #tpu.memory_space<hbm>> -> memref<632x128xf32, #tpu.memory_space<hbm>>
      %dma_wait3A_16 = arith.constant 0 : i32
      %dma_wait3A_17 = tpu.memref_slice %arg14[%mul3A_2, %dma_wait3A_16] : memref<10112x128xf32, #tpu.memory_space<vmem_shared>> -> memref<632x128xf32, #tpu.memory_space<vmem_shared>>
      tpu.wait_dma2 semaphore(%run_scoped3A : memref<!tpu.dma_semaphore, #tpu.memory_space<semaphore_mem>>) src(%dma_wait3A_17 : memref<632x128xf32, #tpu.memory_space<vmem_shared>>) dst(%dma_wait3A_15 : memref<632x128xf32, #tpu.memory_space<hbm>>)
      tpu.yield
    }) : () -> ()
    "tpu.region"() ({
      %run_scoped3A = tpu.sem_alloc : memref<!tpu.dma_semaphore, #tpu.memory_space<semaphore_mem>>
      %dma_start3A = arith.constant 0 : i32
      %dma_start3A_12 = tpu.memref_slice %arg9[%add3A_11, %dma_start3A] : memref<20224x16xf32, #tpu.memory_space<hbm>> -> memref<632x16xf32, #tpu.memory_space<hbm>>
      %dma_start3A_13 = arith.constant 0 : i32
      %dma_start3A_14 = tpu.memref_slice %arg15[%mul3A_2, %dma_start3A_13] : memref<10112x16xf32, #tpu.memory_space<vmem_shared>> -> memref<632x16xf32, #tpu.memory_space<vmem_shared>>
      tpu.enqueue_dma source(%dma_start3A_14 : memref<632x16xf32, #tpu.memory_space<vmem_shared>>) target(%dma_start3A_12 : memref<632x16xf32, #tpu.memory_space<hbm>>) target_semaphore(%run_scoped3A : memref<!tpu.dma_semaphore, #tpu.memory_space<semaphore_mem>>)
      %dma_wait3A = arith.constant 0 : i32
      %dma_wait3A_15 = tpu.memref_slice %arg9[%add3A_11, %dma_wait3A] : memref<20224x16xf32, #tpu.memory_space<hbm>> -> memref<632x16xf32, #tpu.memory_space<hbm>>
      %dma_wait3A_16 = arith.constant 0 : i32
      %dma_wait3A_17 = tpu.memref_slice %arg15[%mul3A_2, %dma_wait3A_16] : memref<10112x16xf32, #tpu.memory_space<vmem_shared>> -> memref<632x16xf32, #tpu.memory_space<vmem_shared>>
      tpu.wait_dma2 semaphore(%run_scoped3A : memref<!tpu.dma_semaphore, #tpu.memory_space<semaphore_mem>>) src(%dma_wait3A_17 : memref<632x16xf32, #tpu.memory_space<vmem_shared>>) dst(%dma_wait3A_15 : memref<632x16xf32, #tpu.memory_space<hbm>>)
      tpu.yield
    }) : () -> ()
    return
  }
}

module attributes {stable_mosaic.version = 14 : i64} {
  func.func @_tc_body(%arg0: i32, %arg1: memref<512x128xf32, #tpu.memory_space<vmem>>, %arg2: memref<512x128xf32, #tpu.memory_space<vmem>>, %arg3: memref<512x128xf32, #tpu.memory_space<vmem>>, %arg4: memref<512x16xf32, #tpu.memory_space<vmem>>, %arg5: memref<512x16xf32, #tpu.memory_space<vmem>>, %arg6: memref<128x128xf32, #tpu.memory_space<vmem>>, %arg7: memref<1x128xf32, #tpu.memory_space<vmem>>, %arg8: memref<128x128xf32, #tpu.memory_space<vmem>>, %arg9: memref<1x128xf32, #tpu.memory_space<vmem>>, %arg10: memref<128x128xf32, #tpu.memory_space<vmem>>, %arg11: memref<1x128xf32, #tpu.memory_space<vmem>>, %arg12: memref<384x128xf32, #tpu.memory_space<vmem>>, %arg13: memref<1x128xf32, #tpu.memory_space<vmem>>, %arg14: memref<128x128xf32, #tpu.memory_space<vmem>>, %arg15: memref<1x128xf32, #tpu.memory_space<vmem>>, %arg16: memref<128x64xf32, #tpu.memory_space<vmem>>, %arg17: memref<1x64xf32, #tpu.memory_space<vmem>>, %arg18: memref<512x64xf32, #tpu.memory_space<vmem>>) attributes {dimension_semantics = [#tpu.dimension_semantics<arbitrary>], iteration_bounds = array<i64: 20>, scalar_prefetch = 0 : i64, scratch_operands = 0 : i64, tpu.core_type = #tpu.core_type<tc>, window_params = [{transform_indices = @transform_0, window_bounds = array<i64: 512, 128>}, {transform_indices = @transform_1, window_bounds = array<i64: 512, 128>}, {transform_indices = @transform_2, window_bounds = array<i64: 512, 128>}, {transform_indices = @transform_3, window_bounds = array<i64: 512, 16>}, {transform_indices = @transform_4, window_bounds = array<i64: 512, 16>}, {pipeline_mode = #tpu.pipeline_mode<synchronous>, transform_indices = @transform_5, window_bounds = array<i64: 128, 128>}, {pipeline_mode = #tpu.pipeline_mode<synchronous>, transform_indices = @transform_6, window_bounds = array<i64: 1, 128>}, {pipeline_mode = #tpu.pipeline_mode<synchronous>, transform_indices = @transform_7, window_bounds = array<i64: 128, 128>}, {pipeline_mode = #tpu.pipeline_mode<synchronous>, transform_indices = @transform_8, window_bounds = array<i64: 1, 128>}, {pipeline_mode = #tpu.pipeline_mode<synchronous>, transform_indices = @transform_9, window_bounds = array<i64: 128, 128>}, {pipeline_mode = #tpu.pipeline_mode<synchronous>, transform_indices = @transform_10, window_bounds = array<i64: 1, 128>}, {pipeline_mode = #tpu.pipeline_mode<synchronous>, transform_indices = @transform_11, window_bounds = array<i64: 384, 128>}, {pipeline_mode = #tpu.pipeline_mode<synchronous>, transform_indices = @transform_12, window_bounds = array<i64: 1, 128>}, {pipeline_mode = #tpu.pipeline_mode<synchronous>, transform_indices = @transform_13, window_bounds = array<i64: 128, 128>}, {pipeline_mode = #tpu.pipeline_mode<synchronous>, transform_indices = @transform_14, window_bounds = array<i64: 1, 128>}, {pipeline_mode = #tpu.pipeline_mode<synchronous>, transform_indices = @transform_15, window_bounds = array<i64: 128, 64>}, {pipeline_mode = #tpu.pipeline_mode<synchronous>, transform_indices = @transform_16, window_bounds = array<i64: 1, 64>}, {transform_indices = @transform_17, window_bounds = array<i64: 512, 64>}]} {
    %get3A = arith.constant 0 : index
    %get3A_0 = arith.constant 0 : index
    %get3A_1 = vector.load %arg1[%get3A, %get3A_0] : memref<512x128xf32, #tpu.memory_space<vmem>>, vector<512x128xf32>
    %get3A_2 = arith.constant 0 : index
    %get3A_3 = arith.constant 0 : index
    %get3A_4 = vector.load %arg6[%get3A_2, %get3A_3] : memref<128x128xf32, #tpu.memory_space<vmem>>, vector<128x128xf32>
    %dot_general3A = arith.constant dense<0.000000e+00> : vector<512x128xf32>
    %dot_general3A_5 = tpu.matmul %get3A_1, %get3A_4, %dot_general3A {dimension_numbers = #tpu.dot_dimension_numbers<[1], [0], [0], [1], [0, 0, 1, 1], [], []>, transpose_lhs_hint = false} : vector<512x128xf32>, vector<128x128xf32>, vector<512x128xf32> -> vector<512x128xf32>
    %get3A_6 = arith.constant 0 : index
    %get3A_7 = arith.constant 0 : index
    %get3A_8 = vector.load %arg7[%get3A_6, %get3A_7] : memref<1x128xf32, #tpu.memory_space<vmem>>, vector<1x128xf32>
    %add3A = vector.broadcast %get3A_8 : vector<1x128xf32> to vector<512x128xf32>
    %add3A_9 = arith.addf %dot_general3A_5, %add3A : vector<512x128xf32>
    %max3A = arith.constant 0.000000e+00 : f32
    %max3A_10 = vector.broadcast %max3A : f32 to vector<512x128xf32>
    %max3A_11 = arith.maximumf %add3A_9, %max3A_10 : vector<512x128xf32>
    %get3A_12 = arith.constant 0 : index
    %get3A_13 = arith.constant 0 : index
    %get3A_14 = vector.load %arg8[%get3A_12, %get3A_13] : memref<128x128xf32, #tpu.memory_space<vmem>>, vector<128x128xf32>
    %dot_general3A_15 = arith.constant dense<0.000000e+00> : vector<512x128xf32>
    %dot_general3A_16 = tpu.matmul %max3A_11, %get3A_14, %dot_general3A_15 {dimension_numbers = #tpu.dot_dimension_numbers<[1], [0], [0], [1], [0, 0, 1, 1], [], []>, transpose_lhs_hint = false} : vector<512x128xf32>, vector<128x128xf32>, vector<512x128xf32> -> vector<512x128xf32>
    %get3A_17 = arith.constant 0 : index
    %get3A_18 = arith.constant 0 : index
    %get3A_19 = vector.load %arg9[%get3A_17, %get3A_18] : memref<1x128xf32, #tpu.memory_space<vmem>>, vector<1x128xf32>
    %add3A_20 = vector.broadcast %get3A_19 : vector<1x128xf32> to vector<512x128xf32>
    %add3A_21 = arith.addf %dot_general3A_16, %add3A_20 : vector<512x128xf32>
    %get3A_22 = arith.constant 0 : index
    %get3A_23 = arith.constant 0 : index
    %get3A_24 = vector.load %arg4[%get3A_22, %get3A_23] : memref<512x16xf32, #tpu.memory_space<vmem>>, vector<512x1xf32>
    %get3A_25 = arith.constant 0 : index
    %get3A_26 = arith.constant 0 : index
    %get3A_27 = vector.load %arg5[%get3A_25, %get3A_26] : memref<512x16xf32, #tpu.memory_space<vmem>>, vector<512x1xf32>
    %add3A_28 = arith.addf %get3A_24, %get3A_27 : vector<512x1xf32>
    %max3A_29 = arith.constant 1.000000e+00 : f32
    %max3A_30 = vector.broadcast %max3A_29 : f32 to vector<512x1xf32>
    %max3A_31 = arith.maximumf %add3A_28, %max3A_30 : vector<512x1xf32>
    %get3A_32 = arith.constant 0 : index
    %get3A_33 = arith.constant 0 : index
    %get3A_34 = vector.load %arg2[%get3A_32, %get3A_33] : memref<512x128xf32, #tpu.memory_space<vmem>>, vector<512x128xf32>
    %get3A_35 = arith.constant 0 : index
    %get3A_36 = arith.constant 0 : index
    %get3A_37 = vector.load %arg3[%get3A_35, %get3A_36] : memref<512x128xf32, #tpu.memory_space<vmem>>, vector<512x128xf32>
    %add3A_38 = arith.addf %get3A_34, %get3A_37 : vector<512x128xf32>
    %div3A = vector.broadcast %max3A_31 : vector<512x1xf32> to vector<512x128xf32>
    %div3A_39 = arith.divf %add3A_38, %div3A : vector<512x128xf32>
    %get3A_40 = arith.constant 0 : index
    %get3A_41 = arith.constant 0 : index
    %get3A_42 = vector.load %arg12[%get3A_40, %get3A_41] : memref<384x128xf32, #tpu.memory_space<vmem>>, vector<128x128xf32>
    %get3A_43 = arith.constant 256 : index
    %get3A_44 = arith.constant 0 : index
    %get3A_45 = vector.load %arg12[%get3A_43, %get3A_44] : memref<384x128xf32, #tpu.memory_space<vmem>>, vector<128x128xf32>
    %add3A_46 = arith.addf %get3A_42, %get3A_45 : vector<128x128xf32>
    %get3A_47 = arith.constant 128 : index
    %get3A_48 = arith.constant 0 : index
    %get3A_49 = vector.load %arg12[%get3A_47, %get3A_48] : memref<384x128xf32, #tpu.memory_space<vmem>>, vector<128x128xf32>
    %get3A_50 = arith.constant 256 : index
    %get3A_51 = arith.constant 0 : index
    %get3A_52 = vector.load %arg12[%get3A_50, %get3A_51] : memref<384x128xf32, #tpu.memory_space<vmem>>, vector<128x128xf32>
    %add3A_53 = arith.addf %get3A_49, %get3A_52 : vector<128x128xf32>
    %get3A_54 = arith.constant 0 : index
    %get3A_55 = arith.constant 0 : index
    %get3A_56 = vector.load %arg10[%get3A_54, %get3A_55] : memref<128x128xf32, #tpu.memory_space<vmem>>, vector<128x128xf32>
    %dot_general3A_57 = arith.constant dense<0.000000e+00> : vector<128x128xf32>
    %dot_general3A_58 = tpu.matmul %get3A_56, %add3A_46, %dot_general3A_57 {dimension_numbers = #tpu.dot_dimension_numbers<[1], [0], [0], [1], [0, 0, 1, 1], [], []>, transpose_lhs_hint = false} : vector<128x128xf32>, vector<128x128xf32>, vector<128x128xf32> -> vector<128x128xf32>
    %get3A_59 = arith.constant 0 : index
    %get3A_60 = arith.constant 0 : index
    %get3A_61 = vector.load %arg11[%get3A_59, %get3A_60] : memref<1x128xf32, #tpu.memory_space<vmem>>, vector<1x128xf32>
    %dot_general3A_62 = arith.constant dense<0.000000e+00> : vector<1x128xf32>
    %dot_general3A_63 = tpu.matmul %get3A_61, %add3A_46, %dot_general3A_62 {dimension_numbers = #tpu.dot_dimension_numbers<[1], [0], [0], [1], [0, 0, 1, 1], [], []>, transpose_lhs_hint = false} : vector<1x128xf32>, vector<128x128xf32>, vector<1x128xf32> -> vector<1x128xf32>
    %dot_general3A_64 = arith.constant dense<0.000000e+00> : vector<512x128xf32>
    %dot_general3A_65 = tpu.matmul %div3A_39, %dot_general3A_58, %dot_general3A_64 {dimension_numbers = #tpu.dot_dimension_numbers<[1], [0], [0], [1], [0, 0, 1, 1], [], []>, transpose_lhs_hint = false} : vector<512x128xf32>, vector<128x128xf32>, vector<512x128xf32> -> vector<512x128xf32>
    %dot_general3A_66 = arith.constant dense<0.000000e+00> : vector<512x128xf32>
    %dot_general3A_67 = tpu.matmul %add3A_21, %add3A_53, %dot_general3A_66 {dimension_numbers = #tpu.dot_dimension_numbers<[1], [0], [0], [1], [0, 0, 1, 1], [], []>, transpose_lhs_hint = false} : vector<512x128xf32>, vector<128x128xf32>, vector<512x128xf32> -> vector<512x128xf32>
    %add3A_68 = arith.addf %dot_general3A_65, %dot_general3A_67 : vector<512x128xf32>
    %add3A_69 = vector.broadcast %dot_general3A_63 : vector<1x128xf32> to vector<512x128xf32>
    %add3A_70 = arith.addf %add3A_68, %add3A_69 : vector<512x128xf32>
    %get3A_71 = arith.constant 0 : index
    %get3A_72 = arith.constant 0 : index
    %get3A_73 = vector.load %arg13[%get3A_71, %get3A_72] : memref<1x128xf32, #tpu.memory_space<vmem>>, vector<1x128xf32>
    %add3A_74 = vector.broadcast %get3A_73 : vector<1x128xf32> to vector<512x128xf32>
    %add3A_75 = arith.addf %add3A_70, %add3A_74 : vector<512x128xf32>
    %max3A_76 = arith.constant 0.000000e+00 : f32
    %max3A_77 = vector.broadcast %max3A_76 : f32 to vector<512x128xf32>
    %max3A_78 = arith.maximumf %add3A_75, %max3A_77 : vector<512x128xf32>
    %get3A_79 = arith.constant 0 : index
    %get3A_80 = arith.constant 0 : index
    %get3A_81 = vector.load %arg14[%get3A_79, %get3A_80] : memref<128x128xf32, #tpu.memory_space<vmem>>, vector<128x128xf32>
    %dot_general3A_82 = arith.constant dense<0.000000e+00> : vector<512x128xf32>
    %dot_general3A_83 = tpu.matmul %max3A_78, %get3A_81, %dot_general3A_82 {dimension_numbers = #tpu.dot_dimension_numbers<[1], [0], [0], [1], [0, 0, 1, 1], [], []>, transpose_lhs_hint = false} : vector<512x128xf32>, vector<128x128xf32>, vector<512x128xf32> -> vector<512x128xf32>
    %get3A_84 = arith.constant 0 : index
    %get3A_85 = arith.constant 0 : index
    %get3A_86 = vector.load %arg15[%get3A_84, %get3A_85] : memref<1x128xf32, #tpu.memory_space<vmem>>, vector<1x128xf32>
    %add3A_87 = vector.broadcast %get3A_86 : vector<1x128xf32> to vector<512x128xf32>
    %add3A_88 = arith.addf %dot_general3A_83, %add3A_87 : vector<512x128xf32>
    %max3A_89 = arith.constant 0.000000e+00 : f32
    %max3A_90 = vector.broadcast %max3A_89 : f32 to vector<512x128xf32>
    %max3A_91 = arith.maximumf %add3A_88, %max3A_90 : vector<512x128xf32>
    %get3A_92 = arith.constant 0 : index
    %get3A_93 = arith.constant 0 : index
    %get3A_94 = vector.load %arg16[%get3A_92, %get3A_93] : memref<128x64xf32, #tpu.memory_space<vmem>>, vector<128x64xf32>
    %dot_general3A_95 = arith.constant dense<0.000000e+00> : vector<512x64xf32>
    %dot_general3A_96 = tpu.matmul %max3A_91, %get3A_94, %dot_general3A_95 {dimension_numbers = #tpu.dot_dimension_numbers<[1], [0], [0], [1], [0, 0, 1, 1], [], []>, transpose_lhs_hint = false} : vector<512x128xf32>, vector<128x64xf32>, vector<512x64xf32> -> vector<512x64xf32>
    %get3A_97 = arith.constant 0 : index
    %get3A_98 = arith.constant 0 : index
    %get3A_99 = vector.load %arg17[%get3A_97, %get3A_98] : memref<1x64xf32, #tpu.memory_space<vmem>>, vector<1x64xf32>
    %add3A_100 = vector.broadcast %get3A_99 : vector<1x64xf32> to vector<512x64xf32>
    %add3A_101 = arith.addf %dot_general3A_96, %add3A_100 : vector<512x64xf32>
    %swap3A = arith.constant 0 : index
    %swap3A_102 = arith.constant 0 : index
    %swap3A_103 = vector.load %arg18[%swap3A, %swap3A_102] : memref<512x64xf32, #tpu.memory_space<vmem>>, vector<512x64xf32>
    tpu.vector_store %arg18[%swap3A, %swap3A_102], %add3A_101 {strides = array<i32>} : memref<512x64xf32, #tpu.memory_space<vmem>>, vector<512x64xf32>,
    return
  }
  func.func @transform_0(%arg0: i32) -> (i32, i32) {
    %c0_i32 = arith.constant 0 : i32
    %c0_i32_0 = arith.constant 0 : i32
    return %arg0, %c0_i32 : i32, i32
  }
  func.func @transform_1(%arg0: i32) -> (i32, i32) {
    %c0_i32 = arith.constant 0 : i32
    %c0_i32_0 = arith.constant 0 : i32
    return %arg0, %c0_i32 : i32, i32
  }
  func.func @transform_2(%arg0: i32) -> (i32, i32) {
    %c0_i32 = arith.constant 0 : i32
    %c0_i32_0 = arith.constant 0 : i32
    return %arg0, %c0_i32 : i32, i32
  }
  func.func @transform_3(%arg0: i32) -> (i32, i32) {
    %c0_i32 = arith.constant 0 : i32
    %c0_i32_0 = arith.constant 0 : i32
    return %arg0, %c0_i32 : i32, i32
  }
  func.func @transform_4(%arg0: i32) -> (i32, i32) {
    %c0_i32 = arith.constant 0 : i32
    %c0_i32_0 = arith.constant 0 : i32
    return %arg0, %c0_i32 : i32, i32
  }
  func.func @transform_5(%arg0: i32) -> (i32, i32) {
    %c0_i32 = arith.constant 0 : i32
    %c0_i32_0 = arith.constant 0 : i32
    %c0_i32_1 = arith.constant 0 : i32
    return %c0_i32, %c0_i32_0 : i32, i32
  }
  func.func @transform_6(%arg0: i32) -> (i32, i32) {
    %c0_i32 = arith.constant 0 : i32
    %c0_i32_0 = arith.constant 0 : i32
    %c0_i32_1 = arith.constant 0 : i32
    return %c0_i32, %c0_i32_0 : i32, i32
  }
  func.func @transform_7(%arg0: i32) -> (i32, i32) {
    %c0_i32 = arith.constant 0 : i32
    %c0_i32_0 = arith.constant 0 : i32
    %c0_i32_1 = arith.constant 0 : i32
    return %c0_i32, %c0_i32_0 : i32, i32
  }
  func.func @transform_8(%arg0: i32) -> (i32, i32) {
    %c0_i32 = arith.constant 0 : i32
    %c0_i32_0 = arith.constant 0 : i32
    %c0_i32_1 = arith.constant 0 : i32
    return %c0_i32, %c0_i32_0 : i32, i32
  }
  func.func @transform_9(%arg0: i32) -> (i32, i32) {
    %c0_i32 = arith.constant 0 : i32
    %c0_i32_0 = arith.constant 0 : i32
    %c0_i32_1 = arith.constant 0 : i32
    return %c0_i32, %c0_i32_0 : i32, i32
  }
  func.func @transform_10(%arg0: i32) -> (i32, i32) {
    %c0_i32 = arith.constant 0 : i32
    %c0_i32_0 = arith.constant 0 : i32
    %c0_i32_1 = arith.constant 0 : i32
    return %c0_i32, %c0_i32_0 : i32, i32
  }
  func.func @transform_11(%arg0: i32) -> (i32, i32) {
    %c0_i32 = arith.constant 0 : i32
    %c0_i32_0 = arith.constant 0 : i32
    %c0_i32_1 = arith.constant 0 : i32
    return %c0_i32, %c0_i32_0 : i32, i32
  }
  func.func @transform_12(%arg0: i32) -> (i32, i32) {
    %c0_i32 = arith.constant 0 : i32
    %c0_i32_0 = arith.constant 0 : i32
    %c0_i32_1 = arith.constant 0 : i32
    return %c0_i32, %c0_i32_0 : i32, i32
  }
  func.func @transform_13(%arg0: i32) -> (i32, i32) {
    %c0_i32 = arith.constant 0 : i32
    %c0_i32_0 = arith.constant 0 : i32
    %c0_i32_1 = arith.constant 0 : i32
    return %c0_i32, %c0_i32_0 : i32, i32
  }
  func.func @transform_14(%arg0: i32) -> (i32, i32) {
    %c0_i32 = arith.constant 0 : i32
    %c0_i32_0 = arith.constant 0 : i32
    %c0_i32_1 = arith.constant 0 : i32
    return %c0_i32, %c0_i32_0 : i32, i32
  }
  func.func @transform_15(%arg0: i32) -> (i32, i32) {
    %c0_i32 = arith.constant 0 : i32
    %c0_i32_0 = arith.constant 0 : i32
    %c0_i32_1 = arith.constant 0 : i32
    return %c0_i32, %c0_i32_0 : i32, i32
  }
  func.func @transform_16(%arg0: i32) -> (i32, i32) {
    %c0_i32 = arith.constant 0 : i32
    %c0_i32_0 = arith.constant 0 : i32
    %c0_i32_1 = arith.constant 0 : i32
    return %c0_i32, %c0_i32_0 : i32, i32
  }
  func.func @transform_17(%arg0: i32) -> (i32, i32) {
    %c0_i32 = arith.constant 0 : i32
    %c0_i32_0 = arith.constant 0 : i32
    return %arg0, %c0_i32 : i32, i32
  }
}

</mosaic_0001>

<sc_bundles>
// kernel: kernel.4.cloned.1.call-start
scs
__scs_entry_jumppad:
0x0: {  	(pc) =	sbr.rel $0x88, $3  }
0x1: {  	(tag) =	ssettag $0x0;
	lr =	simm.s32 $0x1  }
0x2: {  	[smem:$0x3F92] =	sst lr;
	_ =	strace $0xD0000000  }
0x3: {  	_ = 	snop  }
0x4: {  	_ = 	snop  }
0x5: {  	_ = 	snop  }
0x6: {  	_ = 	snop  }
0x7: {  	_ = 	snop  }
__scs_overlays_trampoline_lowered:
0x8: {  	[smem:$0x3FA1] =	sst s0  }
0x9: {  	[smem:$0x3FA2] =	sst s1  }
0xa: {  	[smem:$0x3FA3] =	sst s2  }
0xb: {  	[smem:$0x3FA4] =	sst s3  }
0xc: {  	[smem:$0x3FA5] =	sst s4  }
0xd: {  	[smem:$0x3FA6] =	sst s5  }
0xe: {  	[smem:$0x3FA7] =	sst s6  }
0xf: {  	[smem:$0x3FA8] =	sst s7  }
0x10: {  	[smem:$0x3FA9] =	sst s8  }
0x11: {  	[smem:$0x3FAA] =	sst s9;
	s0 =	simm.s32 @!p0 $0x0  }
0x12: {  	s1 =	sld [smem:$0x3F90];
	s0 =	simm.s32 @p0 $0x1  }
0x13: {  	[smem:$0x3FAB] =	sst s0;
	s0 =	simm.s32 @!p1 $0x0  }
0x14: {  	s2 =	sld [smem:$0x3F8F];
	s0 =	simm.s32 @p1 $0x1  }
0x15: {  	[smem:$0x3FAC] =	sst s0;
	s0 =	simm.s32 @!p2 $0x0  }
0x16: {  	s3 =	sld [smem:$0x3FDB];
	s0 =	simm.s32 @p2 $0x1  }
0x17: {  	s4 =	simm.s32 $0x1BF5;
	[smem:$0x3FAE] =	sst s0  }
0x18: {  	s0 =	sld [smem:$0x3F91];
	_ =	swait.ge [sflag:s4], $0x0  }
0x19: {  	s7 =	sld [smem:$0x3F92]  }
0x1a: {  	s8 =	sadd.s32 $0xFFFFE003, lr  }
0x1b: {  	s9 =	sadd.s32 $0xFFFFFEF7, lr;
	s5 =	simm.s32 $0xFFFFFFFF;
	p2 =	slt.u32 s8, $0xFFFFF086  }
0x1c: {  	p1 =	slt.u32 s9, $0xF7A;
	s5 =	simm.s32 @!p2 $0x0  }
0x1d: {  	s5 =	simm.s32 @p1 $0x1;
	p0 =	seq.s32 s7, s2  }
0x1e: {  	s7 =	smul.u32 @!p0 $0xF7A, s2;
	p2 =	seq.s32 @!p0 s5, $0x0  }
0x1f: {  	s9 =	smul.u32 $0xF7A, s1;
	s8 =	simm.s32 @!p0 $0x1BF5;
	p2 =	por !p2, p0  }
0x20: {  	[sflag:s8] =	ssyncset.s32 @!p0 $0xFFFFF086;
	s6 =	sadd.s32 @!p0 s3, s7;
	s7 =	simm.s32 @!p0 $0x108  }
0x21: {  	s3 =	sadd.s32 s3, s9;
	s6 =	sadd.s32 @!p0 $0x88, s6;
	s7 =	simm.s32 @p2 $0x1082  }
0x22: {  	[simem:s7], [sflag:s8] =	dma.local @!p0 [hbm:s6], $0xF7A  }
0x23: {  	s9 =	sor.u32 $0xD0000000, s2;
	s6 =	simm.s32 $0x108;
	_ =	swait.ge @!p0 [sflag:s8], $0x0  }
0x24: {  	s3 =	sadd.s32 $0x88, s3;
	s6 =	simm.s32 @!p1 $0x1082;
	[sflag:s4] =	ssyncset.s32 $0xFFFFF086  }
0x25: {  	[simem:s6], [sflag:s4] =	dma.local [hbm:s3], $0xF7A  }
0x26: {  	[smem:$0x3F92] =	sst s1;
	(tag) =	ssettag s2;
	_ =	strace s9  }
0x27: {  	s1 =	sld [smem:$0x3FA2]  }
0x28: {  	s2 =	sld [smem:$0x3FA3]  }
0x29: {  	s4 =	sld [smem:$0x3FA5]  }
0x2a: {  	p0 =	seq.s32 s5, $0x0;
	s5 =	sld [smem:$0x3FA6]  }
0x2b: {  	s6 =	sld [smem:$0x3FA7]  }
0x2c: {  	s7 =	sld [smem:$0x3FA8]  }
0x2d: {  	s3 =	simm.s32 $0x108;
	s8 =	sld [smem:$0x3FA9]  }
0x2e: {  	s3 =	simm.s32 @!p0 $0x1082;
	s9 =	sld [smem:$0x3FAA]  }
0x2f: {  	lr =	sadd.s32 s0, s3;
	s0 =	sld [smem:$0x3FA1]  }
0x30: {  	s3 =	sld [smem:$0x3FA4]  }
0x31: {  	[smem:$0x3FAD] =	sst s10  }
0x32: {  	s10 =	sld [smem:$0x3FAB];
	_ =	sdelay $0x3  }
0x33: {  	p0 =	seq.s32 s10, $0x1;
	s10 =	sld [smem:$0x3FAD];
	_ =	sdelay $0x3  }
0x34: {  	[smem:$0x3FAD] =	sst s10  }
0x35: {  	s10 =	sld [smem:$0x3FAC];
	_ =	sdelay $0x3  }
0x36: {  	p1 =	seq.s32 s10, $0x1;
	s10 =	sld [smem:$0x3FAD];
	_ =	sdelay $0x3  }
0x37: {  	[smem:$0x3FAD] =	sst s10  }
0x38: {  	s10 =	sld [smem:$0x3FAE]  }
0x39: {  	_ = 	snop;
	(pc) =	sbr.ind lr, $3  }
0x3a: {  	_ = 	snop  }
0x3b: {  	_ = 	snop  }
0x3c: {  	p2 =	seq.s32 s10, $0x1;
	s10 =	sld [smem:$0x3FAD]  }
0x3d: {  	_ =	shalt  }
0x3e: {  	_ =	shalt  }
0x3f: {  	_ =	shalt  }
0x40: {  	_ =	shalt  }
0x41: {  	_ =	shalt  }
0x42: {  	_ =	shalt  }
0x43: {  	_ =	shalt  }
0x44: {  	_ =	shalt  }
0x45: {  	_ =	shalt  }
0x46: {  	_ =	shalt  }
0x47: {  	_ =	shalt  }
0x48: {  	_ =	shalt  }
0x49: {  	_ =	shalt  }
0x4a: {  	_ =	shalt  }
0x4b: {  	_ =	shalt  }
0x4c: {  	_ =	shalt  }
0x4d: {  	_ =	shalt  }
0x4e: {  	_ =	shalt  }
0x4f: {  	_ =	shalt  }
0x50: {  	_ =	shalt  }
0x51: {  	_ =	shalt  }
0x52: {  	_ =	shalt  }
0x53: {  	_ =	shalt  }
0x54: {  	_ =	shalt  }
0x55: {  	_ =	shalt  }
0x56: {  	_ =	shalt  }
0x57: {  	_ =	shalt  }
0x58: {  	_ =	shalt  }
0x59: {  	_ =	shalt  }
0x5a: {  	_ =	shalt  }
0x5b: {  	_ =	shalt  }
0x5c: {  	_ =	shalt  }
0x5d: {  	_ =	shalt  }
0x5e: {  	_ =	shalt  }
0x5f: {  	_ =	shalt  }
0x60: {  	_ =	shalt  }
0x61: {  	_ =	shalt  }
0x62: {  	_ =	shalt  }
0x63: {  	_ =	shalt  }
0x64: {  	_ =	shalt  }
0x65: {  	_ =	shalt  }
0x66: {  	_ =	shalt  }
0x67: {  	_ =	shalt  }
0x68: {  	_ =	shalt  }
0x69: {  	_ =	shalt  }
0x6a: {  	_ =	shalt  }
0x6b: {  	_ =	shalt  }
0x6c: {  	_ =	shalt  }
0x6d: {  	_ =	shalt  }
0x6e: {  	_ =	shalt  }
0x6f: {  	_ =	shalt  }
0x70: {  	_ =	shalt  }
0x71: {  	_ =	shalt  }
0x72: {  	_ =	shalt  }
0x73: {  	_ =	shalt  }
0x74: {  	_ =	shalt  }
0x75: {  	_ =	shalt  }
0x76: {  	_ =	shalt  }
0x77: {  	_ =	shalt  }
0x78: {  	_ =	shalt  }
0x79: {  	_ =	shalt  }
0x7a: {  	_ =	shalt  }
0x7b: {  	_ =	shalt  }
0x7c: {  	_ =	shalt  }
0x7d: {  	_ =	shalt  }
0x7e: {  	_ =	shalt  }
0x7f: {  	_ =	shalt  }
0x80: {  	_ =	shalt  }
0x81: {  	_ =	shalt  }
0x82: {  	_ =	shalt  }
0x83: {  	_ =	shalt  }
0x84: {  	_ =	shalt  }
0x85: {  	_ =	shalt  }
0x86: {  	_ =	shalt  }
0x87: {  	_ =	shalt  }
.Lfunc_end0:
.L_simem_size_0:
called_computation_lowered:
.L_overlay_start_0:
0x88: {  	s2 =	sld [smem:$0x3FD9]  }
0x89: {  	s3 =	sld [smem:$0x3FFE];
	_ =	sdelay $0x1  }
0x8a: {  	s1 =	srdreg.scid  }
0x8b: {  	s0 =	sand.u32 $0x1, s1  }
0x8c: {  	s17 =	sshll.u32 s0, $0xA;
	s2 =	sadd.s32 s3, s2  }
0x8d: {  	s2 =	sadd.s32 s2, s17  }
0x8e: {  	[smem:$0x3FB9] =	sst s2  }
0x8f: {  	_ = 	snop  }
0x90: {  	s2 =	sld [smem:$0x3FC7]  }
0x91: {  	s18 =	sld [smem:$0x3FD0];
	(tm) =	ssettm $0x1  }
0x92: {  	s4 =	sld [smem:$0x3FFB];
	_ =	sdelay $0x3  }
0x93: {  	_ =	strace s4  }
0x94: {  	s4 =	sld [smem:$0x3FFC];
	_ =	sdelay $0x3  }
0x95: {  	_ =	strace s4  }
0x96: {  	s4 =	sld [smem:$0x3FFD];
	_ =	sdelay $0x3  }
0x97: {  	_ =	strace s4  }
0x98: {  	_ =	strace $0x8FFFFFFF  }
0x99: {  	s19 =	sld [smem:$0x3FDB];
	_ =	sdelay $0x1  }
0x9a: {  	s5 =	simm.s32 $_scs_section_size  }
0x9b: {  	s6 =	simm.s32 $_size__tile_overlayer_lowered;
	s7 =	simm.s32 $_tile_overlayer_lowered  }
0x9c: {  	s22 =	simm.s32 $0x1BFF;
	s21 =	sshll.u32 s7, $0x1;
	s4 =	sadd.s32 s5, s19  }
0x9d: {  	s8 =	simm.s32 $0x0;
	s20 =	sshll.u32 s6, $0x1;
	s6 =	sadd.s32 s21, s4  }
0x9e: {  	[timem:s8], [sflag:s22] =	dma.local [hbm:s6], s20  }
0x9f: {  	_ =	swait.ge [sflag:s22], s20  }
0xa0: {  	s5 =	ssub.s32 $0x0, s20;
	[sflag:s22] =	ssyncset.done $0x0  }
0xa1: {  	[sflag:s22] =	ssyncadd.s32 s5;
	_ =	sdelay $0x1  }
0xa2: {  	s23 =	simm.s32 $0x1B8B  }
0xa3: {  	_ =	swait.ge [sflag:s23], $0x1  }
0xa4: {  	[sflag:s23] =	ssyncset.done $0x0  }
0xa5: {  	s25 =	simm.s32 $0x1B8E;
	s24 =	sld [smem:$0x3FFE];
	[sflag:s23] =	ssyncadd.s32 $0xFFFFFFFF  }
0xa6: {  	s26 =	simm.s32 $execute0_lowered;
	[smem:$0x3FD2] =	sst s25  }
0xa7: {  	s6 =	sshll.u32 s26, $0x1;
	_ =	strace $0x80000046;
	[dreg:$0x1] =	wrdreg $0xFFFFFFFF  }
0xa8: {  	s28 =	simm.s32 $_size_execute0_lowered;
	s4 =	sadd.s32 s4, s6;
	[dreg:$0x0] =	wrdreg $0x0  }
0xa9: {  	s6 =	sshll.u32 s28, $0x1;
	[dreg:$0x2] =	wrdreg s4  }
0xaa: {  	[dreg:$0x3] =	wrdreg s6  }
0xab: {  	[dreg:$0x4] =	wrdreg $0xC0  }
0xac: {  	_ =	task [dreg:s8], $0x5FFFF  }
0xad: {  	[dreg:$0x1] =	wrdreg $0xFFFFFFFF  }
0xae: {  	[dreg:$0x0] =	wrdreg $0x60  }
0xaf: {  	[dreg:$0x2] =	wrdreg s18  }
0xb0: {  	[dreg:$0x3] =	wrdreg s24  }
0xb1: {  	[dreg:$0x4] =	wrdreg s2  }
0xb2: {  	[dreg:$0x5] =	wrdreg $0x2C000  }
0xb3: {  	[dreg:$0x6] =	wrdreg $0x168000  }
0xb4: {  	[dreg:$0x7] =	wrdreg $0x9  }
0xb5: {  	_ =	task.clear_ibuf [dreg:s8], $0x8FFFF;
	_ =	strace $0x90000046  }
0xb6: {  	s29 =	simm.s32 $0x9;
	_ =	strace $0x80000048  }
0xb7: {  	_ =	swait.ge [sflag:s29], $0x1  }
0xb8: {  	[sflag:s29] =	ssyncadd.s32 $0xFFFFFFFF  }
0xb9: {  	_ =	strace $0x90000048  }
0xba: {  	_ =	sfence  }
0xbb: {  	s30 =	sld [smem:$0x0];
	_ =	sdelay $0x2  }
0xbc: {  	s31 =	sshll.u32 s1, $0xD;
	s1 =	sshrl.u32 s1, $0x2  }
0xbd: {  	s3 =	sand.u32 $0x4000, s31;
	s1 =	sadd.s32 s1, s30  }
0xbe: {  	s0 =	sor.u32 s3, s0;
	s1 =	sshll.u32 s1, $0x11  }
0xbf: {  	s0 =	sor.u32 s1, s0  }
0xc0: {  	s0 =	sadd.s32 $0x8F2B, s0  }
0xc1: {  	[sflag:s0] =	ssyncadd.remote.s32 $0x1  }
0xc2: {  	_ =	sfence.sel $0xFFFF  }
0xc3: {  	[dreg:$0x0] =	wrdreg $0xFFFFFFFF;
	(pc) =	sbr.abs _section_cstart, $3  }
0xc4: {  	[dreg:$0x1] =	wrdreg $0xFFFFFFFF  }
0xc5: {  	_ =	task.clear_ibuf [dreg:s8], $0x2FFFF;
	_ =	strace $0x9FFFFFFF  }
0xc6: {  	(tm) =	ssettm $0x7FFFFFFF  }
0xc7: {  	_ =	shalt  }
tec
execute0_lowered:
.L_overlay_start_1:
0x0: {  	(tag) =	ssettag $0x1  }
0x1: {  	s1 =	rddreg [dreg:$0x0]  }
0x2: {  	s9 =	rddreg [dreg:$0x1]  }
0x3: {  	s3 =	rddreg [dreg:$0x2]  }
0x4: {  	s4 =	rddreg [dreg:$0x3]  }
0x5: {  	s5 =	rddreg [dreg:$0x4];
	s2 =	stileid.u32  }
0x6: {  	s0 =	rddreg [dreg:$0x5];
	s7 =	srdreg.scid;
	s6 =	simm.s32 $0x0  }
0x7: {  	s21 =	simm.s32 $0x40;
	s22 =	simm.s32 $0x800;
	s10 =	smul.u32 $0x13C00, s2  }
0x8: {  	s23 =	simm.s32 $0x1;
	s24 =	simm.s32 $0x0;
	s11 =	smul.u32 $0x2780, s2  }
0x9: {  	s12 =	sand.u32 $0x1, s7;
	s8 =	smul.u32 $0x278, s2;
	[smem:$0x7FF] =	sst s6  }
0xa: {  	s7 =	sadd.s32 $0x2600, s9;
	s30 =	sshll.u32 s2, $0x1;
	s31 =	sshll.u32 s2, $0x6  }
0xb: {  	s13 =	smul.u32 $0x2780, s12;
	_ =	strace $0x80000047;
	s17 =	ssub.s32 $0x2, s12  }
0xc: {  	s12 =	sor.u32 s12, s30;
	s14 =	sshrl.u32 s10, $0x3;
	s15 =	sshrl.u32 s11, $0x3  }
0xd: {  	s29 =	sshrl.u32 s17, $0x1;
	s19 =	sadd.s32 s10, s4;
	s10 =	sor.u32 $0x1C02, s31  }
0xe: {  	s20 =	sadd.s32 s11, s5;
	s12 =	smul.u32 $0x2800, s12;
	s14 =	sadd.s32 s14, s9  }
0xf: {  	s13 =	sadd.s32 s8, s13;
	s15 =	sadd.s32 s15, s9;
	s8 =	sadd.s32 $0x38E00, s9  }
0x10: {  	s17 =	ssub.s32 s17, s29;
	s16 =	sshll.u32 s13, $0x4;
	s13 =	sshll.u32 s13, $0x1  }
0x11: {  	s11 =	sadd.s32 $0x33E00, s15;
	s15 =	smax.u32 s17, $0x1;
	s17 =	simm.s32 $0x2  }
0x12: {  	s16 =	sadd.s32 s16, s9;
	s18 =	sadd.s32 s13, s9;
	s9 =	sadd.s32 $0xC600, s14  }
0x13: {  	s13 =	sadd.s32 $0x39000, s16;
	s14 =	sadd.s32 $0x88000, s18;
	s16 =	sshrl.u32 s19, $0x3  }
0x14: {  	s18 =	sshrl.u32 s20, $0x3;
	s19 =	simm.s32 $0x2800;
	s20 =	simm.s32 $0x400  }
.LBB2_1:
0x15: {  	[spmem:s16], [sflag:s10] =	dma.local [hbm:s9], $0x2780  }
0x16: {  	_ =	swait.ge [sflag:s17], $0x2780  }
0x17: {  	[sflag:s17] =	ssyncset.done $0x0  }
0x18: {  	[sflag:s17] =	ssyncadd.s32 $0xFFFFD880  }
0x19: {  	[spmem:s18], [sflag:s10] =	dma.local [hbm:s11], $0x4F0  }
0x1a: {  	_ =	swait.ge [sflag:s17], $0x4F0  }
0x1b: {  	[sflag:s17] =	ssyncset.done $0x0  }
0x1c: {  	[sflag:s17] =	ssyncadd.s32 $0xFFFFFB10  }
0x1d: {  	[tilespmem:s19], [sflag:$0x2] =	stream.linear.gather [hbm4b:s8+s6], $0x400, $0x38;
	[tilespmem:$0x18F80] =	vst v63  }
0x1e: {  	_ =	swait.ge [sflag:s17], $0x400  }
0x1f: {  	[sflag:s17] =	ssyncset.done $0x0  }
0x20: {  	[sflag:s17] =	ssyncadd.s32 $0xFFFFFC00  }
0x21: {  	s25 =	simm.s32 $0x0;
	[bflag:$0x0] =	sbarrier.arrive $0xFFFF  }
.LBB2_2:
0x22: {  	s26 =	sshll.u32 s25, $0xA  }
0x23: {  	s26 =	sadd.s32 s12, s26  }
0x24: {  	s26 =	sshrl.u32 s26, $0x3  }
0x25: {  	s29 =	simm.s32 $0x0;
	s28 =	sadd.s32 s1, s26  }
0x26: {  	[tilespmem:s29], [sflag:$0x2] =	stream.linear.gather [hbm4b:s28+s29], $0x400, $0x38;
	[tilespmem:$0x18F80] =	vst v63  }
0x27: {  	_ =	swait.ge [sflag:s17], $0x400  }
0x28: {  	[sflag:s17] =	ssyncset.done $0x0  }
0x29: {  	s26 =	sadd.s32 s7, s26;
	[sflag:s17] =	ssyncadd.s32 $0xFFFFFC00  }
0x2a: {  	[tilespmem:s20], [sflag:$0x2] =	stream.linear.gather [hbm4b:s26+s29], $0x400, $0x38;
	[tilespmem:$0x18F80] =	vst v63  }
0x2b: {  	_ =	swait.ge [sflag:s17], $0x400  }
0x2c: {  	[sflag:s17] =	ssyncset.done $0x0  }
0x2d: {  	s30 =	simm.s32 $0x400;
	[sflag:s17] =	ssyncadd.s32 $0xFFFFFC00  }
0x2e: {  	[tilespmem:s22], [sflag:$0x1] =	stream.indirect.gather [hbm4b:s3+s21], $0x80, s30, s21, $0xb8;
	[tilespmem:$0x18F80] =	vst v63  }
0x2f: {  	_ =	swait.ge [sflag:s23], $0x2000  }
0x30: {  	[sflag:s23] =	ssyncset.done $0x0  }
0x31: {  	s31 =	simm.s32 $0x0;
	[sflag:s23] =	ssyncadd.s32 $0xFFFFE000  }
0x32: {  	[spmem:s4] =	stream.indirect.scatter.add.f32 [tilespmem:s22], [sflag:$0x2], $0x80, s31, s21, $0xb8;
	[tilespmem:$0x18F80] =	vst v63  }
0x33: {  	_ =	swait.ge [sflag:s17], $0x2000  }
0x34: {  	[sflag:s17] =	ssyncset.done $0x0  }
0x35: {  	[sflag:s17] =	ssyncadd.s32 $0xFFFFE000  }
0x36: {  	[spmem:s5] =	stream.indirect.scatter.add.f32 [tilespmem:s19], [sflag:$0x2], $0x10, s31, s21, $0xb8;
	[tilespmem:$0x18F80] =	vst v63  }
0x37: {  	_ =	swait.ge [sflag:s17], $0x400  }
0x38: {  	s28 =	simm.s32 $0x200;
	s26 =	simm.s32 $0x40;
	[sflag:s17] =	ssyncset.done $0x0  }
.LBB2_3:
0x39: {  	s29 =	sadd.s32 $0x400, s26  }
0x3a: {  	[sflag:s17] =	ssyncadd.s32 $0xFFFFFC00;
	s30 =	smov.u32 s28;
	s31 =	sadd.s32 $0x100, s28  }
0x3b: {  	[tilespmem:s22], [sflag:$0x1] =	stream.indirect.gather [hbm4b:s3+s21], $0x80, s29, s21, $0xb8;
	[tilespmem:$0x18F80] =	vst v63  }
0x3c: {  	p0 =	sne.s32 s28, $0xF00;
	_ =	swait.ge [sflag:s23], $0x2000  }
0x3d: {  	[sflag:s23] =	ssyncset.done $0x0  }
0x3e: {  	[sflag:s23] =	ssyncadd.s32 $0xFFFFE000  }
0x3f: {  	[spmem:s4] =	stream.indirect.scatter.add.f32 [tilespmem:s22], [sflag:$0x2], $0x80, s26, s21, $0xb8;
	[tilespmem:$0x18F80] =	vst v63  }
0x40: {  	_ =	swait.ge [sflag:s17], $0x2000  }
.Ltmp0:
0x41: {  	[sflag:s17] =	ssyncset.done $0x0;
	(pc) =	sbr.rel @p0 .LBB2_3-.Ltmp0, $4  }
0x42: {  	[sflag:s17] =	ssyncadd.s32 $0xFFFFE000  }
0x43: {  	[spmem:s5] =	stream.indirect.scatter.add.f32 [tilespmem:s19], [sflag:$0x2], $0x10, s26, s21, $0xb8;
	[tilespmem:$0x18F80] =	vst v63  }
0x44: {  	_ =	swait.ge [sflag:s17], $0x400  }
0x45: {  	s28 =	smov.u32 s31;
	s26 =	sshra.s32 s30, $0x2;
	[sflag:s17] =	ssyncset.done $0x0  }
0x46: {  	s28 =	sadd.s32 $0x400, s26;
	[sflag:s17] =	ssyncadd.s32 $0xFFFFFC00  }
0x47: {  	[tilespmem:s22], [sflag:$0x1] =	stream.indirect.gather [hbm4b:s3+s21], $0x80, s28, s21, $0xb8;
	[tilespmem:$0x18F80] =	vst v63  }
0x48: {  	_ =	swait.ge [sflag:s23], $0x2000  }
0x49: {  	[sflag:s23] =	ssyncset.done $0x0  }
0x4a: {  	[sflag:s23] =	ssyncadd.s32 $0xFFFFE000  }
0x4b: {  	[spmem:s4] =	stream.indirect.scatter.add.f32 [tilespmem:s22], [sflag:$0x2], $0x80, s26, s21, $0xb8;
	[tilespmem:$0x18F80] =	vst v63  }
0x4c: {  	s25 =	sadd.s32 $0x1, s25;
	_ =	swait.ge [sflag:s17], $0x2000  }
0x4d: {  	p0 =	sne.s32 s25, $0xA;
	[sflag:s17] =	ssyncset.done $0x0  }
.Ltmp1:
0x4e: {  	[sflag:s17] =	ssyncadd.s32 $0xFFFFE000;
	(pc) =	sbr.rel @p0 .LBB2_2-.Ltmp1, $4  }
0x4f: {  	[spmem:s5] =	stream.indirect.scatter.add.f32 [tilespmem:s19], [sflag:$0x2], $0x10, s26, s21, $0xb8;
	[tilespmem:$0x18F80] =	vst v63  }
0x50: {  	_ =	swait.ge [sflag:s17], $0x400  }
0x51: {  	[sflag:s17] =	ssyncset.done $0x0  }
0x52: {  	[sflag:s17] =	ssyncadd.s32 $0xFFFFFC00  }
0x53: {  	[bflag:$0x0] =	sbarrier.arrive $0xFFFF  }
0x54: {  	[hbm:s13], [sflag:s10] =	dma.local [spmem:s16], $0x2780  }
0x55: {  	s24 =	sadd.s32 $0x1, s24;
	_ =	swait.ge [sflag:s17], $0x2780  }
0x56: {  	p0 =	sne.s32 s24, s15;
	[sflag:s17] =	ssyncset.done $0x0  }
.Ltmp2:
0x57: {  	[sflag:s17] =	ssyncadd.s32 $0xFFFFD880;
	(pc) =	sbr.rel @p0 .LBB2_1-.Ltmp2, $4  }
0x58: {  	[hbm:s14], [sflag:s10] =	dma.local [spmem:s18], $0x4F0  }
0x59: {  	_ =	swait.ge [sflag:s17], $0x4F0  }
0x5a: {  	[sflag:s17] =	ssyncset.done $0x0  }
0x5b: {  	[sflag:s17] =	ssyncadd.s32 $0xFFFFFB10  }
0x5c: {  	_ =	sfence.sel $0x180000  }
0x5d: {  	[bflag:$0x0] =	sbarrier.arrive $0xFFFF  }
0x5e: {  	p0 =	sne.s32 s2, $0x0;
	_ =	strace $0x90000047  }
0x5f: {  	s0 =	sadd.s32 @!p0 $0x100000, s0;
	[bflag:$0x2] =	sbarrier.arrive $0xFFFF  }
0x60: {  	[sflag:s0] =	ssyncadd.tile.s32 @!p0 $0x1;
	_ =	shalt  }
.Lfunc_end2:
_tile_overlayer_lowered:
.L_overlay_start_2:
0x61: {  	(tag) =	ssettag $0x2  }
0x62: {  	s0 =	rddreg [dreg:$0x0];
	s2 =	stileid.u32  }
0x63: {  	s1 =	rddreg [dreg:$0x1];
	p0 =	sne.s32 s2, $0x0  }
0x64: {  	s3 =	rddreg [dreg:$0x2];
	[bflag:$0x3] =	sbarrier.arrive $0xFFFF;
	s2 =	simm.s32 @!p0 $0x1C02  }
0x65: {  	[timem:s3], [sflag:s2] =	dma.local @!p0 [hbm:s0], s1  }
0x66: {  	s0 =	simm.s32 @!p0 $0x2  }
0x67: {  	_ =	swait.ge @!p0 [sflag:s0], s1  }
0x68: {  	s1 =	ssub.s32 @!p0 $0x0, s1;
	[sflag:s0] =	ssyncset.done @!p0 $0x0  }
0x69: {  	[sflag:s0] =	ssyncadd.s32 @!p0 s1  }
0x6a: {  	[bflag:$0x3] =	sbarrier.arrive $0xFFFF  }
0x6b: {  	_ =	shalt  }

</sc_bundles>
